<compile_context>
chip_gen: v7x
topology: tpu7x:2x2x1
jax: 0.10.2.dev20260603
libtpu: 0.0.44.dev20260713+nightly
codegen_flags: <defaults>
</compile_context>

<pallas_src>
import jax
import jax.numpy as jnp
import numpy as np
from jax import lax
from jax.experimental import pallas as pl
from jax.experimental.pallas import tpu as pltpu
from jax.experimental.pallas import tpu_sc as plsc

_ANCHORS = [0.28, 0.22, 0.38, 0.48, 0.90, 0.78]
_NCLS = 80
_IGN = 0.5

_NB, _NA, _NR, _NC = 16, 3, 64, 64
_CELLS = _NR * _NC
_MASK_N = _NA * _CELLS
_TPB = 112
_NCHUNK = _TPB // 16

_AW = [float(np.float32(_ANCHORS[2 * a]) * np.float32(64.0)) for a in range(3)]
_AH = [float(np.float32(_ANCHORS[2 * a + 1]) * np.float32(64.0)) for a in range(3)]
_ADEN = [
    float(np.float32(np.float32(_AW[a]) * np.float32(_AH[a])) + np.float32(1e-16))
    for a in range(3)
]


def _sc_body(tgt_hbm, noobj_hbm, obj_hbm, tgt_v, obj_v, noobj_v):
    c = lax.axis_index("c")
    s = lax.axis_index("s")
    wid = s * 2 + c

    @pl.when(wid < _NB)
    def _():
        b = wid
        zi = jnp.zeros((16,), jnp.int32)
        oi = jnp.ones((16,), jnp.int32)

        def mbody(i, carry):
            base = i * 128
            for j in range(8):
                obj_v[pl.ds(base + j * 16, 16)] = zi
                noobj_v[pl.ds(base + j * 16, 16)] = oi
            return carry
        lax.fori_loop(0, _MASK_N // 128, mbody, 0)

        pltpu.sync_copy(tgt_hbm.at[pl.ds(b * (6 * _TPB), 6 * _TPB)], tgt_v)

        lane = lax.iota(jnp.int32, 16)

        def cbody(k, carry):
            off = k * 16
            tx = tgt_v[pl.ds(2 * _TPB + off, 16)]
            ty = tgt_v[pl.ds(3 * _TPB + off, 16)]
            tw = tgt_v[pl.ds(4 * _TPB + off, 16)]
            th = tgt_v[pl.ds(5 * _TPB + off, 16)]
            gi = (tx * 64.0).astype(jnp.int32)
            gj = (ty * 64.0).astype(jnp.int32)
            gw = tw * 64.0
            gh = th * 64.0
            area = gw * gh
            ious = []
            for a in range(3):
                inter = jnp.minimum(_AW[a], gw) * jnp.minimum(_AH[a], gh)
                ious.append(inter / (_ADEN[a] + area - inter))
            best_iou = ious[0]
            best_n = zi
            m1 = ious[1] > best_iou
            best_iou = jnp.where(m1, ious[1], best_iou)
            best_n = jnp.where(m1, 1, best_n)
            m2 = ious[2] > best_iou
            best_n = jnp.where(m2, 2, best_n)

            valid = (off + lane) < 100
            cell = gi * 64 + gj
            plsc.store_scatter(obj_v, [best_n * _CELLS + cell], oi, mask=valid)
            for a in range(3):
                kill = valid & ((best_n == a) | (ious[a] > _IGN))
                plsc.store_scatter(noobj_v, [a * _CELLS + cell], zi, mask=kill)
            return carry
        lax.fori_loop(0, _NCHUNK, cbody, 0)

        boff_m = b * _MASK_N
        pltpu.sync_copy(obj_v, obj_hbm.at[pl.ds(boff_m, _MASK_N)])
        pltpu.sync_copy(noobj_v, noobj_hbm.at[pl.ds(boff_m, _MASK_N)])


def _tc_body(tgt_ref, out_ref):
    tgt = tgt_ref[0]
    tx = tgt[2:3, :]
    ty = tgt[3:4, :]
    tw = tgt[4:5, :]
    th = tgt[5:6, :]
    gi = (tx * 64.0).astype(jnp.int32)
    gj = (ty * 64.0).astype(jnp.int32)
    gw = tw * 64.0
    gh = th * 64.0
    area = gw * gh
    ious = []
    for a in range(3):
        inter = jnp.minimum(_AW[a], gw) * jnp.minimum(_AH[a], gh)
        ious.append(inter / (_ADEN[a] + area - inter))
    best_iou = ious[0]
    best_n = jnp.zeros((1, _TPB), jnp.int32)
    m1 = ious[1] > best_iou
    best_iou = jnp.where(m1, ious[1], best_iou)
    best_n = jnp.where(m1, 1, best_n)
    m2 = ious[2] > best_iou
    best_n = jnp.where(m2, 2, best_n)

    tvalid = lax.broadcasted_iota(jnp.int32, (1, _TPB), 1) < 100
    midx = jnp.where(tvalid, best_n * _CELLS + gi * 64 + gj, -1)
    cls_ = tgt[1:2, :].astype(jnp.int32)

    cell_iota = lax.broadcasted_iota(jnp.int32, (_MASK_N, _TPB), 0)
    at_mat = jnp.where(cell_iota == midx, 1.0, 0.0).astype(jnp.bfloat16)
    cls_iota = lax.broadcasted_iota(jnp.int32, (_NCLS, _TPB), 0)
    b_mat = jnp.where(cls_iota == cls_, 1.0, 0.0).astype(jnp.bfloat16)
    cnt = jax.lax.dot_general(
        at_mat, b_mat, (((1,), (1,)), ((), ())),
        preferred_element_type=jnp.float32)
    out_ref[...] = jnp.minimum(cnt, 1.0).reshape(1, _NA, _NR, _NC, _NCLS)


@jax.jit
def _run(tgt3):
    sc_fn = pl.kernel(
        _sc_body,
        out_type=(
            jax.ShapeDtypeStruct((_NB * _MASK_N,), jnp.int32),
            jax.ShapeDtypeStruct((_NB * _MASK_N,), jnp.int32),
        ),
        mesh=plsc.VectorSubcoreMesh(core_axis_name="c", subcore_axis_name="s"),
        compiler_params=pltpu.CompilerParams(needs_layout_passes=False),
        scratch_types=[
            pltpu.VMEM((6 * _TPB,), jnp.float32),
            pltpu.VMEM((_MASK_N,), jnp.int32),
            pltpu.VMEM((_MASK_N,), jnp.int32),
        ],
    )
    tcls = pl.pallas_call(
        _tc_body,
        grid=(_NB,),
        in_specs=[pl.BlockSpec((1, 6, _TPB), lambda b: (b, 0, 0))],
        out_specs=pl.BlockSpec(
            (1, _NA, _NR, _NC, _NCLS), lambda b: (b, 0, 0, 0, 0)),
        out_shape=jax.ShapeDtypeStruct(
            (_NB, _NA, _NR, _NC, _NCLS), jnp.float32),
    )(tgt3)
    noobj_f, obj_f = sc_fn(tgt3.reshape(-1))
    return noobj_f, obj_f, tcls


def kernel(x, target):
    nT = target.shape[0]
    tgt3 = target.reshape(nT // _NB, _NB, 6).transpose(1, 2, 0)
    tgt3 = jnp.pad(tgt3, ((0, 0), (0, 0), (0, _TPB - nT // _NB)))
    noobj_f, obj_f, tcls = _run(tgt3)
    return (
        noobj_f.reshape(_NB, _NA, _NR, _NC),
        obj_f.reshape(_NB, _NA, _NR, _NC),
        tcls,
    )

# --- scband reference (transcript-rebuilt; emitter-appended) ---
"""Pipeline reference for scband-yolo-loss-30030411333646 (READ-ONLY COPY).

The authoritative reference and input builder live on the scoring server;
editing this copy changes nothing except your own understanding.
"""

import jax, jax.numpy as jnp
import numpy as np

ANCHORS = [0.28, 0.22, 0.38, 0.48, 0.90, 0.78]
NUM_CLASS = 80
IGNORE_THRES = 0.5


def bbox_iou(box1, box2, x1y1x2y2=True):
    if not x1y1x2y2:
        b1_x1, b1_x2 = box1[:, 0] - box1[:, 2] / 2, box1[:, 0] + box1[:, 2] / 2
        b1_y1, b1_y2 = box1[:, 1] - box1[:, 3] / 2, box1[:, 1] + box1[:, 3] / 2
        b2_x1, b2_x2 = box2[:, 0] - box2[:, 2] / 2, box2[:, 0] + box2[:, 2] / 2
        b2_y1, b2_y2 = box2[:, 1] - box2[:, 3] / 2, box2[:, 1] + box2[:, 3] / 2
    else:
        b1_x1, b1_y1, b1_x2, b1_y2 = box1[:, 0], box1[:, 1], box1[:, 2], box1[:, 3]
        b2_x1, b2_y1, b2_x2, b2_y2 = box2[:, 0], box2[:, 1], box2[:, 2], box2[:, 3]
    inter_x1 = jnp.maximum(b1_x1, b2_x1)
    inter_y1 = jnp.maximum(b1_y1, b2_y1)
    inter_x2 = jnp.minimum(b1_x2, b2_x2)
    inter_y2 = jnp.minimum(b1_y2, b2_y2)
    inter_area = jnp.clip(inter_x2 - inter_x1 + 1, 0, None) * jnp.clip(inter_y2 - inter_y1 + 1, 0, None)
    b1_area = (b1_x2 - b1_x1 + 1) * (b1_y2 - b1_y1 + 1)
    b2_area = (b2_x2 - b2_x1 + 1) * (b2_y2 - b2_y1 + 1)
    return inter_area / (b1_area + b2_area - inter_area + 1e-16)


def bbox_wh_iou(wh1, wh2):
    w1, h1 = wh1[0], wh1[1]
    w2, h2 = wh2[:, 0], wh2[:, 1]
    inter = jnp.minimum(w1, w2) * jnp.minimum(h1, h2)
    union = w1 * h1 + 1e-16 + w2 * h2 - inter
    return inter / union


def setup_inputs(seed: int = 0):
    key = jax.random.key(seed)
    kx, kt = jax.random.split(key)
    x = jax.random.normal(kx, (16, 510, 64, 64), dtype=jnp.float32)
    target = jax.random.uniform(kt, (1600, 6), dtype=jnp.float32)
    return {"x": x, "target": target}


def reference(x, target):
    nBatch = x.shape[0]
    nT = target.shape[0]
    nAnchorVals = len(ANCHORS)
    nAnchor = nAnchorVals // 2
    nClass = NUM_CLASS
    nRow, nCol = x.shape[2], x.shape[3]
    # instance map: arange(nBatch) tiled nT/nBatch times, written into target[:,0]
    instance_map = jnp.tile(jnp.arange(nBatch, dtype=jnp.int32), nT // nBatch)
    target = target.at[:, 0].set(instance_map.astype(jnp.float32))
    # original filters target[:,1] > -1; always true for inputs in [0,1), skipped for static shapes
    xr = x.reshape(nBatch, nAnchorVals, nRow, nCol, nClass + 5)
    obj_mask = jnp.zeros((nBatch, nAnchor, nRow, nCol), dtype=jnp.int32)
    noobj_mask = jnp.ones((nBatch, nAnchor, nRow, nCol), dtype=jnp.int32)
    tx = jnp.zeros((nBatch, nAnchor, nRow, nCol), dtype=jnp.float32)
    ty = jnp.zeros_like(tx)
    tw = jnp.zeros_like(tx)
    th = jnp.zeros_like(tx)
    tcls = jnp.zeros((nBatch, nAnchor, nRow, nCol, nClass), dtype=jnp.float32)
    image_id = target[:, 0].astype(jnp.int32)
    class_id = target[:, 1].astype(jnp.int32)
    grid_scale = jnp.array([nRow, nCol], dtype=jnp.float32)
    target_xy = target[:, 2:4] * grid_scale
    target_wh = target[:, 4:6] * grid_scale
    gx, gy = target_xy[:, 0], target_xy[:, 1]
    gw, gh = target_wh[:, 0], target_wh[:, 1]
    gi = target_xy[:, 0].astype(jnp.int32)
    gj = target_xy[:, 1].astype(jnp.int32)
    anchors = jnp.array(ANCHORS, dtype=jnp.float32).reshape(nAnchor, 2) * grid_scale
    ious = jnp.stack([bbox_wh_iou(anchors[a], target_wh) for a in range(nAnchor)])  # [nAnchor, nT]
    best_ious = ious.max(axis=0)
    best_n = ious.argmax(axis=0).astype(jnp.int32)
    obj_mask = obj_mask.at[image_id, best_n, gi, gj].set(1)
    noobj_mask = noobj_mask.at[image_id, best_n, gi, gj].set(0)
    # zero out noobj for any anchor whose wh-iou with the target exceeds the threshold
    keep = 1 - (ious.T > IGNORE_THRES).astype(jnp.int32)  # [nT, nAnchor]
    anchor_idx = jnp.arange(nAnchor, dtype=jnp.int32)[None, :]
    noobj_mask = noobj_mask.at[image_id[:, None], anchor_idx, gi[:, None], gj[:, None]].multiply(keep)
    tx = tx.at[instance_map, best_n, gi, gj].set(gx - jnp.floor(gx))
    ty = ty.at[instance_map, best_n, gi, gj].set(gy - jnp.floor(gy))
    tw = tw.at[instance_map, best_n, gi, gj].set(jnp.log(gw / anchors[best_n][:, 0] + 1e-16))
    th = th.at[instance_map, best_n, gi, gj].set(jnp.log(gh / anchors[best_n][:, 1] + 1e-16))
    tcls = tcls.at[instance_map, best_n, gi, gj, class_id].set(1.0)
    pred_box = xr[instance_map, best_n, gi, gj, 0:4]
    iou_vals = bbox_iou(pred_box, target[:, 2:6], x1y1x2y2=False)
    iou_scores = jnp.zeros((nBatch, nAnchor, nRow, nCol), dtype=jnp.float32)
    iou_scores = iou_scores.at[instance_map, best_n, gi, gj].set(iou_vals)
    return (noobj_mask, obj_mask, tcls)

if __name__ == "__main__":
    import jax
    _d = setup_inputs()
    print(jax.jit(kernel)(*tuple(_d.values())))

</pallas_src>

<mosaic_0001>
#map = affine_map<(d0, d1) -> (0)>
module attributes {stable_mosaic.version = 14 : i64} {
  func.func @_sc_body(%arg0: i32, %arg1: i32, %arg2: memref<10752xf32, #tpu.memory_space<hbm>>, %arg3: memref<196608xi32, #tpu.memory_space<hbm>>, %arg4: memref<196608xi32, #tpu.memory_space<hbm>>, %arg5: memref<672xf32, #tpu.memory_space<vmem>>, %arg6: memref<12288xi32, #tpu.memory_space<vmem>>, %arg7: memref<12288xi32, #tpu.memory_space<vmem>>) attributes {dimension_semantics = [#tpu.dimension_semantics<core_parallel>, #tpu.dimension_semantics<subcore_parallel>], iteration_bounds = array<i64: 2, 16>, scalar_prefetch = 0 : i64, scratch_operands = 3 : i64, tpu.core_type = #tpu.core_type<sc_vector_subcore>, window_params = [{transform_indices = #map}, {transform_indices = #map}, {transform_indices = #map}]} {
    %mul3A = arith.constant 2 : i32
    %mul3A_0 = arith.muli %arg1, %mul3A : i32
    %add3A = arith.addi %mul3A_0, %arg0 : i32
    %lt3A = arith.constant 16 : i32
    %lt3A_1 = arith.cmpi slt, %add3A, %lt3A : i32
    %convert_element_type3A = arith.extui %lt3A_1 : i1 to i32
    %cond3A = arith.constant 0 : i32
    %cond3A_2 = arith.cmpi ne, %convert_element_type3A, %cond3A : i32
    scf.if %cond3A_2 {
      %broadcast_in_dim3A = arith.constant 0 : i32
      %broadcast_in_dim3A_3 = vector.broadcast %broadcast_in_dim3A : i32 to vector<16xi32>
      %broadcast_in_dim3A_4 = arith.constant 1 : i32
      %broadcast_in_dim3A_5 = vector.broadcast %broadcast_in_dim3A_4 : i32 to vector<16xi32>
      %scan3A = arith.constant 0 : i32
      %scan3A_6 = arith.constant 0 : i32
      %scan3A_7 = arith.constant 96 : i32
      %scan3A_8 = arith.addi %scan3A_6, %scan3A_7 : i32
      %scan3A_9 = arith.constant 1 : i32
      scf.for %scan3A_21 = %scan3A_6 to %scan3A_8 step %scan3A_9  : i32 {
        %mul3A_22 = arith.constant 128 : i32
        %mul3A_23 = arith.muli %scan3A_21, %mul3A_22 : i32
        %add3A_24 = arith.constant 0 : i32
        %add3A_25 = arith.addi %mul3A_23, %add3A_24 : i32
        %swap3A = arith.index_cast %add3A_25 : i32 to index
        %swap3A_26 = tpu.vector_load %arg6[%swap3A] {strides = array<i32>} : memref<12288xi32, #tpu.memory_space<vmem>>, vector<16xi32>,
        tpu.vector_store %arg6[%swap3A], %broadcast_in_dim3A_3 {strides = array<i32>} : memref<12288xi32, #tpu.memory_space<vmem>>, vector<16xi32>,
        %add3A_27 = arith.constant 0 : i32
        %add3A_28 = arith.addi %mul3A_23, %add3A_27 : i32
        %swap3A_29 = arith.index_cast %add3A_28 : i32 to index
        %swap3A_30 = tpu.vector_load %arg7[%swap3A_29] {strides = array<i32>} : memref<12288xi32, #tpu.memory_space<vmem>>, vector<16xi32>,
        tpu.vector_store %arg7[%swap3A_29], %broadcast_in_dim3A_5 {strides = array<i32>} : memref<12288xi32, #tpu.memory_space<vmem>>, vector<16xi32>,
        %add3A_31 = arith.constant 16 : i32
        %add3A_32 = arith.addi %mul3A_23, %add3A_31 : i32
        %swap3A_33 = arith.index_cast %add3A_32 : i32 to index
        %swap3A_34 = tpu.vector_load %arg6[%swap3A_33] {strides = array<i32>} : memref<12288xi32, #tpu.memory_space<vmem>>, vector<16xi32>,
        tpu.vector_store %arg6[%swap3A_33], %broadcast_in_dim3A_3 {strides = array<i32>} : memref<12288xi32, #tpu.memory_space<vmem>>, vector<16xi32>,
        %add3A_35 = arith.constant 16 : i32
        %add3A_36 = arith.addi %mul3A_23, %add3A_35 : i32
        %swap3A_37 = arith.index_cast %add3A_36 : i32 to index
        %swap3A_38 = tpu.vector_load %arg7[%swap3A_37] {strides = array<i32>} : memref<12288xi32, #tpu.memory_space<vmem>>, vector<16xi32>,
        tpu.vector_store %arg7[%swap3A_37], %broadcast_in_dim3A_5 {strides = array<i32>} : memref<12288xi32, #tpu.memory_space<vmem>>, vector<16xi32>,
        %add3A_39 = arith.constant 32 : i32
        %add3A_40 = arith.addi %mul3A_23, %add3A_39 : i32
        %swap3A_41 = arith.index_cast %add3A_40 : i32 to index
        %swap3A_42 = tpu.vector_load %arg6[%swap3A_41] {strides = array<i32>} : memref<12288xi32, #tpu.memory_space<vmem>>, vector<16xi32>,
        tpu.vector_store %arg6[%swap3A_41], %broadcast_in_dim3A_3 {strides = array<i32>} : memref<12288xi32, #tpu.memory_space<vmem>>, vector<16xi32>,
        %add3A_43 = arith.constant 32 : i32
        %add3A_44 = arith.addi %mul3A_23, %add3A_43 : i32
        %swap3A_45 = arith.index_cast %add3A_44 : i32 to index
        %swap3A_46 = tpu.vector_load %arg7[%swap3A_45] {strides = array<i32>} : memref<12288xi32, #tpu.memory_space<vmem>>, vector<16xi32>,
        tpu.vector_store %arg7[%swap3A_45], %broadcast_in_dim3A_5 {strides = array<i32>} : memref<12288xi32, #tpu.memory_space<vmem>>, vector<16xi32>,
        %add3A_47 = arith.constant 48 : i32
        %add3A_48 = arith.addi %mul3A_23, %add3A_47 : i32
        %swap3A_49 = arith.index_cast %add3A_48 : i32 to index
        %swap3A_50 = tpu.vector_load %arg6[%swap3A_49] {strides = array<i32>} : memref<12288xi32, #tpu.memory_space<vmem>>, vector<16xi32>,
        tpu.vector_store %arg6[%swap3A_49], %broadcast_in_dim3A_3 {strides = array<i32>} : memref<12288xi32, #tpu.memory_space<vmem>>, vector<16xi32>,
        %add3A_51 = arith.constant 48 : i32
        %add3A_52 = arith.addi %mul3A_23, %add3A_51 : i32
        %swap3A_53 = arith.index_cast %add3A_52 : i32 to index
        %swap3A_54 = tpu.vector_load %arg7[%swap3A_53] {strides = array<i32>} : memref<12288xi32, #tpu.memory_space<vmem>>, vector<16xi32>,
        tpu.vector_store %arg7[%swap3A_53], %broadcast_in_dim3A_5 {strides = array<i32>} : memref<12288xi32, #tpu.memory_space<vmem>>, vector<16xi32>,
        %add3A_55 = arith.constant 64 : i32
        %add3A_56 = arith.addi %mul3A_23, %add3A_55 : i32
        %swap3A_57 = arith.index_cast %add3A_56 : i32 to index
        %swap3A_58 = tpu.vector_load %arg6[%swap3A_57] {strides = array<i32>} : memref<12288xi32, #tpu.memory_space<vmem>>, vector<16xi32>,
        tpu.vector_store %arg6[%swap3A_57], %broadcast_in_dim3A_3 {strides = array<i32>} : memref<12288xi32, #tpu.memory_space<vmem>>, vector<16xi32>,
        %add3A_59 = arith.constant 64 : i32
        %add3A_60 = arith.addi %mul3A_23, %add3A_59 : i32
        %swap3A_61 = arith.index_cast %add3A_60 : i32 to index
        %swap3A_62 = tpu.vector_load %arg7[%swap3A_61] {strides = array<i32>} : memref<12288xi32, #tpu.memory_space<vmem>>, vector<16xi32>,
        tpu.vector_store %arg7[%swap3A_61], %broadcast_in_dim3A_5 {strides = array<i32>} : memref<12288xi32, #tpu.memory_space<vmem>>, vector<16xi32>,
        %add3A_63 = arith.constant 80 : i32
        %add3A_64 = arith.addi %mul3A_23, %add3A_63 : i32
        %swap3A_65 = arith.index_cast %add3A_64 : i32 to index
        %swap3A_66 = tpu.vector_load %arg6[%swap3A_65] {strides = array<i32>} : memref<12288xi32, #tpu.memory_space<vmem>>, vector<16xi32>,
        tpu.vector_store %arg6[%swap3A_65], %broadcast_in_dim3A_3 {strides = array<i32>} : memref<12288xi32, #tpu.memory_space<vmem>>, vector<16xi32>,
        %add3A_67 = arith.constant 80 : i32
        %add3A_68 = arith.addi %mul3A_23, %add3A_67 : i32
        %swap3A_69 = arith.index_cast %add3A_68 : i32 to index
        %swap3A_70 = tpu.vector_load %arg7[%swap3A_69] {strides = array<i32>} : memref<12288xi32, #tpu.memory_space<vmem>>, vector<16xi32>,
        tpu.vector_store %arg7[%swap3A_69], %broadcast_in_dim3A_5 {strides = array<i32>} : memref<12288xi32, #tpu.memory_space<vmem>>, vector<16xi32>,
        %add3A_71 = arith.constant 96 : i32
        %add3A_72 = arith.addi %mul3A_23, %add3A_71 : i32
        %swap3A_73 = arith.index_cast %add3A_72 : i32 to index
        %swap3A_74 = tpu.vector_load %arg6[%swap3A_73] {strides = array<i32>} : memref<12288xi32, #tpu.memory_space<vmem>>, vector<16xi32>,
        tpu.vector_store %arg6[%swap3A_73], %broadcast_in_dim3A_3 {strides = array<i32>} : memref<12288xi32, #tpu.memory_space<vmem>>, vector<16xi32>,
        %add3A_75 = arith.constant 96 : i32
        %add3A_76 = arith.addi %mul3A_23, %add3A_75 : i32
        %swap3A_77 = arith.index_cast %add3A_76 : i32 to index
        %swap3A_78 = tpu.vector_load %arg7[%swap3A_77] {strides = array<i32>} : memref<12288xi32, #tpu.memory_space<vmem>>, vector<16xi32>,
        tpu.vector_store %arg7[%swap3A_77], %broadcast_in_dim3A_5 {strides = array<i32>} : memref<12288xi32, #tpu.memory_space<vmem>>, vector<16xi32>,
        %add3A_79 = arith.constant 112 : i32
        %add3A_80 = arith.addi %mul3A_23, %add3A_79 : i32
        %swap3A_81 = arith.index_cast %add3A_80 : i32 to index
        %swap3A_82 = tpu.vector_load %arg6[%swap3A_81] {strides = array<i32>} : memref<12288xi32, #tpu.memory_space<vmem>>, vector<16xi32>,
        tpu.vector_store %arg6[%swap3A_81], %broadcast_in_dim3A_3 {strides = array<i32>} : memref<12288xi32, #tpu.memory_space<vmem>>, vector<16xi32>,
        %add3A_83 = arith.constant 112 : i32
        %add3A_84 = arith.addi %mul3A_23, %add3A_83 : i32
        %swap3A_85 = arith.index_cast %add3A_84 : i32 to index
        %swap3A_86 = tpu.vector_load %arg7[%swap3A_85] {strides = array<i32>} : memref<12288xi32, #tpu.memory_space<vmem>>, vector<16xi32>,
        tpu.vector_store %arg7[%swap3A_85], %broadcast_in_dim3A_5 {strides = array<i32>} : memref<12288xi32, #tpu.memory_space<vmem>>, vector<16xi32>,
      }
      %scan3A_10 = arith.constant 96 : i32
      %mul3A_11 = arith.constant 672 : i32
      %mul3A_12 = arith.muli %add3A, %mul3A_11 : i32
      "tpu.region"() ({
        %run_scoped3A = tpu.sem_alloc : memref<!tpu.dma_semaphore, #tpu.memory_space<semaphore_mem>>
        %dma_start3A = tpu.memref_slice %arg2[%mul3A_12] : memref<10752xf32, #tpu.memory_space<hbm>> -> memref<672xf32, #tpu.memory_space<hbm>>
        %dma_start3A_21 = tpu.memref_slice %arg2[%mul3A_12] : memref<10752xf32, #tpu.memory_space<hbm>> -> memref<672xf32, #tpu.memory_space<hbm>>
        tpu.enqueue_dma source(%dma_start3A_21 : memref<672xf32, #tpu.memory_space<hbm>>) target(%arg5 : memref<672xf32, #tpu.memory_space<vmem>>) target_semaphore(%run_scoped3A : memref<!tpu.dma_semaphore, #tpu.memory_space<semaphore_mem>>)
        %dma_wait3A = tpu.memref_slice %arg2[%mul3A_12] : memref<10752xf32, #tpu.memory_space<hbm>> -> memref<672xf32, #tpu.memory_space<hbm>>
        %dma_wait3A_22 = tpu.memref_slice %arg2[%mul3A_12] : memref<10752xf32, #tpu.memory_space<hbm>> -> memref<672xf32, #tpu.memory_space<hbm>>
        tpu.wait_dma2 semaphore(%run_scoped3A : memref<!tpu.dma_semaphore, #tpu.memory_space<semaphore_mem>>) src(%dma_wait3A_22 : memref<672xf32, #tpu.memory_space<hbm>>) dst(%arg5 : memref<672xf32, #tpu.memory_space<vmem>>)
        tpu.yield
      }) : () -> ()
      %iota3A = tpu.iota {dimensions = array<i32: 0>} : vector<16xi32>
      %scan3A_13 = arith.constant 0 : i32
      %scan3A_14 = arith.constant 0 : i32
      %scan3A_15 = arith.constant 7 : i32
      %scan3A_16 = arith.addi %scan3A_14, %scan3A_15 : i32
      %scan3A_17 = arith.constant 1 : i32
      scf.for %scan3A_21 = %scan3A_14 to %scan3A_16 step %scan3A_17  : i32 {
        %mul3A_22 = arith.constant 16 : i32
        %mul3A_23 = arith.muli %scan3A_21, %mul3A_22 : i32
        %add3A_24 = arith.constant 224 : i32
        %add3A_25 = arith.addi %add3A_24, %mul3A_23 : i32
        %get3A = arith.index_cast %add3A_25 : i32 to index
        %get3A_26 = tpu.vector_load %arg5[%get3A] {strides = array<i32>} : memref<672xf32, #tpu.memory_space<vmem>>, vector<16xf32>,
        %add3A_27 = arith.constant 336 : i32
        %add3A_28 = arith.addi %add3A_27, %mul3A_23 : i32
        %get3A_29 = arith.index_cast %add3A_28 : i32 to index
        %get3A_30 = tpu.vector_load %arg5[%get3A_29] {strides = array<i32>} : memref<672xf32, #tpu.memory_space<vmem>>, vector<16xf32>,
        %add3A_31 = arith.constant 448 : i32
        %add3A_32 = arith.addi %add3A_31, %mul3A_23 : i32
        %get3A_33 = arith.index_cast %add3A_32 : i32 to index
        %get3A_34 = tpu.vector_load %arg5[%get3A_33] {strides = array<i32>} : memref<672xf32, #tpu.memory_space<vmem>>, vector<16xf32>,
        %add3A_35 = arith.constant 560 : i32
        %add3A_36 = arith.addi %add3A_35, %mul3A_23 : i32
        %get3A_37 = arith.index_cast %add3A_36 : i32 to index
        %get3A_38 = tpu.vector_load %arg5[%get3A_37] {strides = array<i32>} : memref<672xf32, #tpu.memory_space<vmem>>, vector<16xf32>,
        %mul3A_39 = arith.constant 6.400000e+01 : f32
        %mul3A_40 = vector.broadcast %mul3A_39 : f32 to vector<16xf32>
        %mul3A_41 = arith.mulf %get3A_26, %mul3A_40 : vector<16xf32>
        %convert_element_type3A_42 = arith.fptosi %mul3A_41 : vector<16xf32> to vector<16xi32>
        %mul3A_43 = arith.constant 6.400000e+01 : f32
        %mul3A_44 = vector.broadcast %mul3A_43 : f32 to vector<16xf32>
        %mul3A_45 = arith.mulf %get3A_30, %mul3A_44 : vector<16xf32>
        %convert_element_type3A_46 = arith.fptosi %mul3A_45 : vector<16xf32> to vector<16xi32>
        %mul3A_47 = arith.constant 6.400000e+01 : f32
        %mul3A_48 = vector.broadcast %mul3A_47 : f32 to vector<16xf32>
        %mul3A_49 = arith.mulf %get3A_34, %mul3A_48 : vector<16xf32>
        %mul3A_50 = arith.constant 6.400000e+01 : f32
        %mul3A_51 = vector.broadcast %mul3A_50 : f32 to vector<16xf32>
        %mul3A_52 = arith.mulf %get3A_38, %mul3A_51 : vector<16xf32>
        %mul3A_53 = arith.mulf %mul3A_49, %mul3A_52 : vector<16xf32>
        %min3A = arith.constant 1.792000e+01 : f32
        %min3A_54 = vector.broadcast %min3A : f32 to vector<16xf32>
        %min3A_55 = arith.minimumf %min3A_54, %mul3A_49 : vector<16xf32>
        %min3A_56 = arith.constant 1.408000e+01 : f32
        %min3A_57 = vector.broadcast %min3A_56 : f32 to vector<16xf32>
        %min3A_58 = arith.minimumf %min3A_57, %mul3A_52 : vector<16xf32>
        %mul3A_59 = arith.mulf %min3A_55, %min3A_58 : vector<16xf32>
        %add3A_60 = arith.constant 252.313599 : f32
        %add3A_61 = vector.broadcast %add3A_60 : f32 to vector<16xf32>
        %add3A_62 = arith.addf %add3A_61, %mul3A_53 : vector<16xf32>
        %sub3A = arith.subf %add3A_62, %mul3A_59 : vector<16xf32>
        %div3A = arith.divf %mul3A_59, %sub3A : vector<16xf32>
        %min3A_63 = arith.constant 2.432000e+01 : f32
        %min3A_64 = vector.broadcast %min3A_63 : f32 to vector<16xf32>
        %min3A_65 = arith.minimumf %min3A_64, %mul3A_49 : vector<16xf32>
        %min3A_66 = arith.constant 3.072000e+01 : f32
        %min3A_67 = vector.broadcast %min3A_66 : f32 to vector<16xf32>
        %min3A_68 = arith.minimumf %min3A_67, %mul3A_52 : vector<16xf32>
        %mul3A_69 = arith.mulf %min3A_65, %min3A_68 : vector<16xf32>
        %add3A_70 = arith.constant 747.110352 : f32
        %add3A_71 = vector.broadcast %add3A_70 : f32 to vector<16xf32>
        %add3A_72 = arith.addf %add3A_71, %mul3A_53 : vector<16xf32>
        %sub3A_73 = arith.subf %add3A_72, %mul3A_69 : vector<16xf32>
        %div3A_74 = arith.divf %mul3A_69, %sub3A_73 : vector<16xf32>
        %min3A_75 = arith.constant 5.760000e+01 : f32
        %min3A_76 = vector.broadcast %min3A_75 : f32 to vector<16xf32>
        %min3A_77 = arith.minimumf %min3A_76, %mul3A_49 : vector<16xf32>
        %min3A_78 = arith.constant 4.992000e+01 : f32
        %min3A_79 = vector.broadcast %min3A_78 : f32 to vector<16xf32>
        %min3A_80 = arith.minimumf %min3A_79, %mul3A_52 : vector<16xf32>
        %mul3A_81 = arith.mulf %min3A_77, %min3A_80 : vector<16xf32>
        %add3A_82 = arith.constant 2875.39185 : f32
        %add3A_83 = vector.broadcast %add3A_82 : f32 to vector<16xf32>
        %add3A_84 = arith.addf %add3A_83, %mul3A_53 : vector<16xf32>
        %sub3A_85 = arith.subf %add3A_84, %mul3A_81 : vector<16xf32>
        %div3A_86 = arith.divf %mul3A_81, %sub3A_85 : vector<16xf32>
        %gt3A = arith.cmpf ogt, %div3A_74, %div3A : vector<16xf32>
        %select_n3A = arith.select %gt3A, %div3A_74, %div3A : vector<16xi1>, vector<16xf32>
        %jit3A = arith.constant 1 : i32
        %broadcast_in_dim3A_87 = vector.broadcast %jit3A : i32 to vector<16xi32>
        %select_n3A_88 = arith.select %gt3A, %broadcast_in_dim3A_87, %broadcast_in_dim3A_3 : vector<16xi1>, vector<16xi32>
        %gt3A_89 = arith.cmpf ogt, %div3A_86, %select_n3A : vector<16xf32>
        %jit3A_90 = arith.constant 2 : i32
        %broadcast_in_dim3A_91 = vector.broadcast %jit3A_90 : i32 to vector<16xi32>
        %select_n3A_92 = arith.select %gt3A_89, %broadcast_in_dim3A_91, %select_n3A_88 : vector<16xi1>, vector<16xi32>
        %add3A_93 = vector.broadcast %mul3A_23 : i32 to vector<16xi32>
        %add3A_94 = arith.addi %add3A_93, %iota3A : vector<16xi32>
        %lt3A_95 = arith.constant 100 : i32
        %lt3A_96 = vector.broadcast %lt3A_95 : i32 to vector<16xi32>
        %lt3A_97 = arith.cmpi slt, %add3A_94, %lt3A_96 : vector<16xi32>
        %mul3A_98 = arith.constant 64 : i32
        %mul3A_99 = vector.broadcast %mul3A_98 : i32 to vector<16xi32>
        %mul3A_100 = arith.muli %convert_element_type3A_42, %mul3A_99 : vector<16xi32>
        %add3A_101 = arith.addi %mul3A_100, %convert_element_type3A_46 : vector<16xi32>
        %mul3A_102 = arith.constant 4096 : i32
        %mul3A_103 = vector.broadcast %mul3A_102 : i32 to vector<16xi32>
        %mul3A_104 = arith.muli %select_n3A_92, %mul3A_103 : vector<16xi32>
        %add3A_105 = arith.addi %mul3A_104, %add3A_101 : vector<16xi32>
        tpu.vector_store_idx %arg6[%add3A_105], %broadcast_in_dim3A_5 masked %lt3A_97 : memref<12288xi32, #tpu.memory_space<vmem>>[vector<16xi32>], vector<16xi32>, vector<16xi1>
        %eq3A = arith.constant 0 : i32
        %eq3A_106 = vector.broadcast %eq3A : i32 to vector<16xi32>
        %eq3A_107 = arith.cmpi eq, %select_n3A_92, %eq3A_106 : vector<16xi32>
        %gt3A_108 = arith.constant 5.000000e-01 : f32
        %gt3A_109 = vector.broadcast %gt3A_108 : f32 to vector<16xf32>
        %gt3A_110 = arith.cmpf ogt, %div3A, %gt3A_109 : vector<16xf32>
        %or3A = arith.ori %eq3A_107, %gt3A_110 : vector<16xi1>
        %and3A = arith.andi %lt3A_97, %or3A : vector<16xi1>
        %add3A_111 = arith.constant 0 : i32
        %add3A_112 = vector.broadcast %add3A_111 : i32 to vector<16xi32>
        %add3A_113 = arith.addi %add3A_112, %add3A_101 : vector<16xi32>
        tpu.vector_store_idx %arg7[%add3A_113], %broadcast_in_dim3A_3 masked %and3A : memref<12288xi32, #tpu.memory_space<vmem>>[vector<16xi32>], vector<16xi32>, vector<16xi1>
        %eq3A_114 = arith.constant 1 : i32
        %eq3A_115 = vector.broadcast %eq3A_114 : i32 to vector<16xi32>
        %eq3A_116 = arith.cmpi eq, %select_n3A_92, %eq3A_115 : vector<16xi32>
        %gt3A_117 = arith.constant 5.000000e-01 : f32
        %gt3A_118 = vector.broadcast %gt3A_117 : f32 to vector<16xf32>
        %gt3A_119 = arith.cmpf ogt, %div3A_74, %gt3A_118 : vector<16xf32>
        %or3A_120 = arith.ori %eq3A_116, %gt3A_119 : vector<16xi1>
        %and3A_121 = arith.andi %lt3A_97, %or3A_120 : vector<16xi1>
        %add3A_122 = arith.constant 4096 : i32
        %add3A_123 = vector.broadcast %add3A_122 : i32 to vector<16xi32>
        %add3A_124 = arith.addi %add3A_123, %add3A_101 : vector<16xi32>
        tpu.vector_store_idx %arg7[%add3A_124], %broadcast_in_dim3A_3 masked %and3A_121 : memref<12288xi32, #tpu.memory_space<vmem>>[vector<16xi32>], vector<16xi32>, vector<16xi1>
        %eq3A_125 = arith.constant 2 : i32
        %eq3A_126 = vector.broadcast %eq3A_125 : i32 to vector<16xi32>
        %eq3A_127 = arith.cmpi eq, %select_n3A_92, %eq3A_126 : vector<16xi32>
        %gt3A_128 = arith.constant 5.000000e-01 : f32
        %gt3A_129 = vector.broadcast %gt3A_128 : f32 to vector<16xf32>
        %gt3A_130 = arith.cmpf ogt, %div3A_86, %gt3A_129 : vector<16xf32>
        %or3A_131 = arith.ori %eq3A_127, %gt3A_130 : vector<16xi1>
        %and3A_132 = arith.andi %lt3A_97, %or3A_131 : vector<16xi1>
        %add3A_133 = arith.constant 8192 : i32
        %add3A_134 = vector.broadcast %add3A_133 : i32 to vector<16xi32>
        %add3A_135 = arith.addi %add3A_134, %add3A_101 : vector<16xi32>
        tpu.vector_store_idx %arg7[%add3A_135], %broadcast_in_dim3A_3 masked %and3A_132 : memref<12288xi32, #tpu.memory_space<vmem>>[vector<16xi32>], vector<16xi32>, vector<16xi1>
      }
      %scan3A_18 = arith.constant 7 : i32
      %mul3A_19 = arith.constant 12288 : i32
      %mul3A_20 = arith.muli %add3A, %mul3A_19 : i32
      "tpu.region"() ({
        %run_scoped3A = tpu.sem_alloc : memref<!tpu.dma_semaphore, #tpu.memory_space<semaphore_mem>>
        %dma_start3A = tpu.memref_slice %arg4[%mul3A_20] : memref<196608xi32, #tpu.memory_space<hbm>> -> memref<12288xi32, #tpu.memory_space<hbm>>
        %dma_start3A_21 = tpu.memref_slice %arg4[%mul3A_20] : memref<196608xi32, #tpu.memory_space<hbm>> -> memref<12288xi32, #tpu.memory_space<hbm>>
        tpu.enqueue_dma source(%arg6 : memref<12288xi32, #tpu.memory_space<vmem>>) target(%dma_start3A_21 : memref<12288xi32, #tpu.memory_space<hbm>>) target_semaphore(%run_scoped3A : memref<!tpu.dma_semaphore, #tpu.memory_space<semaphore_mem>>)
        %dma_wait3A = tpu.memref_slice %arg4[%mul3A_20] : memref<196608xi32, #tpu.memory_space<hbm>> -> memref<12288xi32, #tpu.memory_space<hbm>>
        %dma_wait3A_22 = tpu.memref_slice %arg4[%mul3A_20] : memref<196608xi32, #tpu.memory_space<hbm>> -> memref<12288xi32, #tpu.memory_space<hbm>>
        tpu.wait_dma2 semaphore(%run_scoped3A : memref<!tpu.dma_semaphore, #tpu.memory_space<semaphore_mem>>) src(%arg6 : memref<12288xi32, #tpu.memory_space<vmem>>) dst(%dma_wait3A_22 : memref<12288xi32, #tpu.memory_space<hbm>>)
        tpu.yield
      }) : () -> ()
      "tpu.region"() ({
        %run_scoped3A = tpu.sem_alloc : memref<!tpu.dma_semaphore, #tpu.memory_space<semaphore_mem>>
        %dma_start3A = tpu.memref_slice %arg3[%mul3A_20] : memref<196608xi32, #tpu.memory_space<hbm>> -> memref<12288xi32, #tpu.memory_space<hbm>>
        %dma_start3A_21 = tpu.memref_slice %arg3[%mul3A_20] : memref<196608xi32, #tpu.memory_space<hbm>> -> memref<12288xi32, #tpu.memory_space<hbm>>
        tpu.enqueue_dma source(%arg7 : memref<12288xi32, #tpu.memory_space<vmem>>) target(%dma_start3A_21 : memref<12288xi32, #tpu.memory_space<hbm>>) target_semaphore(%run_scoped3A : memref<!tpu.dma_semaphore, #tpu.memory_space<semaphore_mem>>)
        %dma_wait3A = tpu.memref_slice %arg3[%mul3A_20] : memref<196608xi32, #tpu.memory_space<hbm>> -> memref<12288xi32, #tpu.memory_space<hbm>>
        %dma_wait3A_22 = tpu.memref_slice %arg3[%mul3A_20] : memref<196608xi32, #tpu.memory_space<hbm>> -> memref<12288xi32, #tpu.memory_space<hbm>>
        tpu.wait_dma2 semaphore(%run_scoped3A : memref<!tpu.dma_semaphore, #tpu.memory_space<semaphore_mem>>) src(%arg7 : memref<12288xi32, #tpu.memory_space<vmem>>) dst(%dma_wait3A_22 : memref<12288xi32, #tpu.memory_space<hbm>>)
        tpu.yield
      }) : () -> ()
    } else {
    }
    return
  }
}

module attributes {stable_mosaic.version = 14 : i64} {
  func.func @_tc_body(%arg0: i32, %arg1: memref<1x6x112xf32, #tpu.memory_space<vmem>>, %arg2: memref<1x3x64x64x80xf32, #tpu.memory_space<vmem>>) attributes {dimension_semantics = [#tpu.dimension_semantics<arbitrary>], iteration_bounds = array<i64: 16>, scalar_prefetch = 0 : i64, scratch_operands = 0 : i64, tpu.core_type = #tpu.core_type<tc>, window_params = [{transform_indices = @transform_0, window_bounds = array<i64: 1, 6, 112>}, {transform_indices = @transform_1, window_bounds = array<i64: 1, 3, 64, 64, 80>}]} {
    %get3A = arith.constant 0 : index
    %get3A_0 = arith.constant 0 : index
    %get3A_1 = arith.constant 0 : index
    %get3A_2 = vector.load %arg1[%get3A, %get3A_0, %get3A_1] : memref<1x6x112xf32, #tpu.memory_space<vmem>>, vector<1x6x112xf32>
    %get3A_3 = vector.shape_cast %get3A_2 : vector<1x6x112xf32> to vector<6x112xf32>
    %slice3A = vector.extract_strided_slice %get3A_3 {offsets = [2, 0], sizes = [1, 112], strides = [1, 1]} : vector<6x112xf32> to vector<1x112xf32>
    %slice3A_4 = vector.extract_strided_slice %get3A_3 {offsets = [3, 0], sizes = [1, 112], strides = [1, 1]} : vector<6x112xf32> to vector<1x112xf32>
    %slice3A_5 = vector.extract_strided_slice %get3A_3 {offsets = [4, 0], sizes = [1, 112], strides = [1, 1]} : vector<6x112xf32> to vector<1x112xf32>
    %slice3A_6 = vector.extract_strided_slice %get3A_3 {offsets = [5, 0], sizes = [1, 112], strides = [1, 1]} : vector<6x112xf32> to vector<1x112xf32>
    %mul3A = arith.constant 6.400000e+01 : f32
    %mul3A_7 = vector.broadcast %mul3A : f32 to vector<1x112xf32>
    %mul3A_8 = arith.mulf %slice3A, %mul3A_7 : vector<1x112xf32>
    %convert_element_type3A = arith.fptosi %mul3A_8 : vector<1x112xf32> to vector<1x112xi32>
    %mul3A_9 = arith.constant 6.400000e+01 : f32
    %mul3A_10 = vector.broadcast %mul3A_9 : f32 to vector<1x112xf32>
    %mul3A_11 = arith.mulf %slice3A_4, %mul3A_10 : vector<1x112xf32>
    %convert_element_type3A_12 = arith.fptosi %mul3A_11 : vector<1x112xf32> to vector<1x112xi32>
    %mul3A_13 = arith.constant 6.400000e+01 : f32
    %mul3A_14 = vector.broadcast %mul3A_13 : f32 to vector<1x112xf32>
    %mul3A_15 = arith.mulf %slice3A_5, %mul3A_14 : vector<1x112xf32>
    %mul3A_16 = arith.constant 6.400000e+01 : f32
    %mul3A_17 = vector.broadcast %mul3A_16 : f32 to vector<1x112xf32>
    %mul3A_18 = arith.mulf %slice3A_6, %mul3A_17 : vector<1x112xf32>
    %mul3A_19 = arith.mulf %mul3A_15, %mul3A_18 : vector<1x112xf32>
    %min3A = arith.constant 1.792000e+01 : f32
    %min3A_20 = vector.broadcast %min3A : f32 to vector<1x112xf32>
    %min3A_21 = arith.minimumf %min3A_20, %mul3A_15 : vector<1x112xf32>
    %min3A_22 = arith.constant 1.408000e+01 : f32
    %min3A_23 = vector.broadcast %min3A_22 : f32 to vector<1x112xf32>
    %min3A_24 = arith.minimumf %min3A_23, %mul3A_18 : vector<1x112xf32>
    %mul3A_25 = arith.mulf %min3A_21, %min3A_24 : vector<1x112xf32>
    %add3A = arith.constant 252.313599 : f32
    %add3A_26 = vector.broadcast %add3A : f32 to vector<1x112xf32>
    %add3A_27 = arith.addf %add3A_26, %mul3A_19 : vector<1x112xf32>
    %sub3A = arith.subf %add3A_27, %mul3A_25 : vector<1x112xf32>
    %div3A = arith.divf %mul3A_25, %sub3A : vector<1x112xf32>
    %min3A_28 = arith.constant 2.432000e+01 : f32
    %min3A_29 = vector.broadcast %min3A_28 : f32 to vector<1x112xf32>
    %min3A_30 = arith.minimumf %min3A_29, %mul3A_15 : vector<1x112xf32>
    %min3A_31 = arith.constant 3.072000e+01 : f32
    %min3A_32 = vector.broadcast %min3A_31 : f32 to vector<1x112xf32>
    %min3A_33 = arith.minimumf %min3A_32, %mul3A_18 : vector<1x112xf32>
    %mul3A_34 = arith.mulf %min3A_30, %min3A_33 : vector<1x112xf32>
    %add3A_35 = arith.constant 747.110352 : f32
    %add3A_36 = vector.broadcast %add3A_35 : f32 to vector<1x112xf32>
    %add3A_37 = arith.addf %add3A_36, %mul3A_19 : vector<1x112xf32>
    %sub3A_38 = arith.subf %add3A_37, %mul3A_34 : vector<1x112xf32>
    %div3A_39 = arith.divf %mul3A_34, %sub3A_38 : vector<1x112xf32>
    %min3A_40 = arith.constant 5.760000e+01 : f32
    %min3A_41 = vector.broadcast %min3A_40 : f32 to vector<1x112xf32>
    %min3A_42 = arith.minimumf %min3A_41, %mul3A_15 : vector<1x112xf32>
    %min3A_43 = arith.constant 4.992000e+01 : f32
    %min3A_44 = vector.broadcast %min3A_43 : f32 to vector<1x112xf32>
    %min3A_45 = arith.minimumf %min3A_44, %mul3A_18 : vector<1x112xf32>
    %mul3A_46 = arith.mulf %min3A_42, %min3A_45 : vector<1x112xf32>
    %add3A_47 = arith.constant 2875.39185 : f32
    %add3A_48 = vector.broadcast %add3A_47 : f32 to vector<1x112xf32>
    %add3A_49 = arith.addf %add3A_48, %mul3A_19 : vector<1x112xf32>
    %sub3A_50 = arith.subf %add3A_49, %mul3A_46 : vector<1x112xf32>
    %div3A_51 = arith.divf %mul3A_46, %sub3A_50 : vector<1x112xf32>
    %broadcast_in_dim3A = arith.constant 0 : i32
    %broadcast_in_dim3A_52 = vector.broadcast %broadcast_in_dim3A : i32 to vector<1x112xi32>
    %gt3A = arith.cmpf ogt, %div3A_39, %div3A : vector<1x112xf32>
    %select_n3A = arith.select %gt3A, %div3A_39, %div3A : vector<1x112xi1>, vector<1x112xf32>
    %jit3A = arith.constant 1 : i32
    %broadcast_in_dim3A_53 = vector.broadcast %jit3A : i32 to vector<1x112xi32>
    %select_n3A_54 = arith.select %gt3A, %broadcast_in_dim3A_53, %broadcast_in_dim3A_52 : vector<1x112xi1>, vector<1x112xi32>
    %gt3A_55 = arith.cmpf ogt, %div3A_51, %select_n3A : vector<1x112xf32>
    %jit3A_56 = arith.constant 2 : i32
    %broadcast_in_dim3A_57 = vector.broadcast %jit3A_56 : i32 to vector<1x112xi32>
    %select_n3A_58 = arith.select %gt3A_55, %broadcast_in_dim3A_57, %select_n3A_54 : vector<1x112xi1>, vector<1x112xi32>
    %iota3A = tpu.iota {dimensions = array<i32: 1>} : vector<1x112xi32>
    %lt3A = arith.constant 100 : i32
    %lt3A_59 = vector.broadcast %lt3A : i32 to vector<1x112xi32>
    %lt3A_60 = arith.cmpi slt, %iota3A, %lt3A_59 : vector<1x112xi32>
    %mul3A_61 = arith.constant 4096 : i32
    %mul3A_62 = vector.broadcast %mul3A_61 : i32 to vector<1x112xi32>
    %mul3A_63 = arith.muli %select_n3A_58, %mul3A_62 : vector<1x112xi32>
    %mul3A_64 = arith.constant 64 : i32
    %mul3A_65 = vector.broadcast %mul3A_64 : i32 to vector<1x112xi32>
    %mul3A_66 = arith.muli %convert_element_type3A, %mul3A_65 : vector<1x112xi32>
    %add3A_67 = arith.addi %mul3A_63, %mul3A_66 : vector<1x112xi32>
    %add3A_68 = arith.addi %add3A_67, %convert_element_type3A_12 : vector<1x112xi32>
    %jit3A_69 = arith.constant -1 : i32
    %broadcast_in_dim3A_70 = vector.broadcast %jit3A_69 : i32 to vector<1x112xi32>
    %select_n3A_71 = arith.select %lt3A_60, %add3A_68, %broadcast_in_dim3A_70 : vector<1x112xi1>, vector<1x112xi32>
    %slice3A_72 = vector.extract_strided_slice %get3A_3 {offsets = [1, 0], sizes = [1, 112], strides = [1, 1]} : vector<6x112xf32> to vector<1x112xf32>
    %convert_element_type3A_73 = arith.fptosi %slice3A_72 : vector<1x112xf32> to vector<1x112xi32>
    %iota3A_74 = tpu.iota {dimensions = array<i32: 0>} : vector<12288x112xi32>
    %eq3A = vector.broadcast %select_n3A_71 : vector<1x112xi32> to vector<12288x112xi32>
    %eq3A_75 = arith.cmpi eq, %iota3A_74, %eq3A : vector<12288x112xi32>
    %jit3A_76 = arith.constant 1.000000e+00 : f32
    %jit3A_77 = arith.constant 0.000000e+00 : f32
    %broadcast_in_dim3A_78 = vector.broadcast %jit3A_76 : f32 to vector<12288x112xf32>
    %broadcast_in_dim3A_79 = vector.broadcast %jit3A_77 : f32 to vector<12288x112xf32>
    %select_n3A_80 = arith.select %eq3A_75, %broadcast_in_dim3A_78, %broadcast_in_dim3A_79 : vector<12288x112xi1>, vector<12288x112xf32>
    %convert_element_type3A_81 = arith.truncf %select_n3A_80 : vector<12288x112xf32> to vector<12288x112xbf16>
    %iota3A_82 = tpu.iota {dimensions = array<i32: 0>} : vector<80x112xi32>
    %eq3A_83 = vector.broadcast %convert_element_type3A_73 : vector<1x112xi32> to vector<80x112xi32>
    %eq3A_84 = arith.cmpi eq, %iota3A_82, %eq3A_83 : vector<80x112xi32>
    %jit3A_85 = arith.constant 1.000000e+00 : f32
    %jit3A_86 = arith.constant 0.000000e+00 : f32
    %broadcast_in_dim3A_87 = vector.broadcast %jit3A_85 : f32 to vector<80x112xf32>
    %broadcast_in_dim3A_88 = vector.broadcast %jit3A_86 : f32 to vector<80x112xf32>
    %select_n3A_89 = arith.select %eq3A_84, %broadcast_in_dim3A_87, %broadcast_in_dim3A_88 : vector<80x112xi1>, vector<80x112xf32>
    %convert_element_type3A_90 = arith.truncf %select_n3A_89 : vector<80x112xf32> to vector<80x112xbf16>
    %dot_general3A = arith.constant dense<0.000000e+00> : vector<12288x80xf32>
    %dot_general3A_91 = tpu.matmul %convert_element_type3A_81, %convert_element_type3A_90, %dot_general3A {dimension_numbers = #tpu.dot_dimension_numbers<[1], [1], [0], [0], [0, 0, 1, 0], [], []>, transpose_lhs_hint = false} : vector<12288x112xbf16>, vector<80x112xbf16>, vector<12288x80xf32> -> vector<12288x80xf32>
    %min3A_92 = arith.constant 1.000000e+00 : f32
    %min3A_93 = vector.broadcast %min3A_92 : f32 to vector<12288x80xf32>
    %min3A_94 = arith.minimumf %dot_general3A_91, %min3A_93 : vector<12288x80xf32>
    %reshape3A = vector.shape_cast %min3A_94 : vector<12288x80xf32> to vector<1x3x64x64x80xf32>
    %swap3A = arith.constant 0 : index
    %swap3A_95 = arith.constant 0 : index
    %swap3A_96 = arith.constant 0 : index
    %swap3A_97 = arith.constant 0 : index
    %swap3A_98 = arith.constant 0 : index
    %swap3A_99 = vector.load %arg2[%swap3A, %swap3A_95, %swap3A_96, %swap3A_97, %swap3A_98] : memref<1x3x64x64x80xf32, #tpu.memory_space<vmem>>, vector<1x3x64x64x80xf32>
    tpu.vector_store %arg2[%swap3A, %swap3A_95, %swap3A_96, %swap3A_97, %swap3A_98], %reshape3A {strides = array<i32>} : memref<1x3x64x64x80xf32, #tpu.memory_space<vmem>>, vector<1x3x64x64x80xf32>,
    return
  }
  func.func @transform_0(%arg0: i32) -> (i32, i32, i32) {
    %c0_i32 = arith.constant 0 : i32
    %c0_i32_0 = arith.constant 0 : i32
    %c0_i32_1 = arith.constant 0 : i32
    return %arg0, %c0_i32, %c0_i32_0 : i32, i32, i32
  }
  func.func @transform_1(%arg0: i32) -> (i32, i32, i32, i32, i32) {
    %c0_i32 = arith.constant 0 : i32
    %c0_i32_0 = arith.constant 0 : i32
    %c0_i32_1 = arith.constant 0 : i32
    %c0_i32_2 = arith.constant 0 : i32
    %c0_i32_3 = arith.constant 0 : i32
    return %arg0, %c0_i32, %c0_i32_0, %c0_i32_1, %c0_i32_2 : i32, i32, i32, i32, i32
  }
}

</mosaic_0001>

<sc_bundles>
// kernel: _run.4.cloned.1.call-start
scs
__scs_entry_jumppad:
0x0: {  	(pc) =	sbr.rel $0x88, $3  }
0x1: {  	(tag) =	ssettag $0x0;
	lr =	simm.s32 $0x1  }
0x2: {  	[smem:$0x3FA0] =	sst lr;
	_ =	strace $0xD0000000  }
0x3: {  	_ = 	snop  }
0x4: {  	_ = 	snop  }
0x5: {  	_ = 	snop  }
0x6: {  	_ = 	snop  }
0x7: {  	_ = 	snop  }
__scs_overlays_trampoline_lowered:
0x8: {  	[smem:$0x3FAF] =	sst s0  }
0x9: {  	[smem:$0x3FB0] =	sst s1  }
0xa: {  	[smem:$0x3FB1] =	sst s2  }
0xb: {  	[smem:$0x3FB2] =	sst s3  }
0xc: {  	[smem:$0x3FB3] =	sst s4  }
0xd: {  	[smem:$0x3FB4] =	sst s5  }
0xe: {  	[smem:$0x3FB5] =	sst s6  }
0xf: {  	[smem:$0x3FB6] =	sst s7  }
0x10: {  	[smem:$0x3FB7] =	sst s8  }
0x11: {  	[smem:$0x3FB8] =	sst s9;
	s0 =	simm.s32 @!p0 $0x0  }
0x12: {  	s1 =	sld [smem:$0x3F9E];
	s0 =	simm.s32 @p0 $0x1  }
0x13: {  	[smem:$0x3FB9] =	sst s0;
	s0 =	simm.s32 @!p1 $0x0  }
0x14: {  	s2 =	sld [smem:$0x3F9D];
	s0 =	simm.s32 @p1 $0x1  }
0x15: {  	[smem:$0x3FBA] =	sst s0;
	s0 =	simm.s32 @!p2 $0x0  }
0x16: {  	s3 =	sld [smem:$0x3FDB];
	s0 =	simm.s32 @p2 $0x1  }
0x17: {  	s4 =	simm.s32 $0x1BF5;
	[smem:$0x3FBC] =	sst s0  }
0x18: {  	s0 =	sld [smem:$0x3F9F];
	_ =	swait.ge [sflag:s4], $0x0  }
0x19: {  	s7 =	sld [smem:$0x3FA0]  }
0x1a: {  	s8 =	sadd.s32 $0xFFFFE003, lr  }
0x1b: {  	s9 =	sadd.s32 $0xFFFFFEF7, lr;
	s5 =	simm.s32 $0xFFFFFFFF;
	p2 =	slt.u32 s8, $0xFFFFF086  }
0x1c: {  	p1 =	slt.u32 s9, $0xF7A;
	s5 =	simm.s32 @!p2 $0x0  }
0x1d: {  	s5 =	simm.s32 @p1 $0x1;
	p0 =	seq.s32 s7, s2  }
0x1e: {  	s7 =	smul.u32 @!p0 $0xF7A, s2;
	p2 =	seq.s32 @!p0 s5, $0x0  }
0x1f: {  	s9 =	smul.u32 $0xF7A, s1;
	s8 =	simm.s32 @!p0 $0x1BF5;
	p2 =	por !p2, p0  }
0x20: {  	[sflag:s8] =	ssyncset.s32 @!p0 $0xFFFFF086;
	s6 =	sadd.s32 @!p0 s3, s7;
	s7 =	simm.s32 @!p0 $0x108  }
0x21: {  	s3 =	sadd.s32 s3, s9;
	s6 =	sadd.s32 @!p0 $0x88, s6;
	s7 =	simm.s32 @p2 $0x1082  }
0x22: {  	[simem:s7], [sflag:s8] =	dma.local @!p0 [hbm:s6], $0xF7A  }
0x23: {  	s9 =	sor.u32 $0xD0000000, s2;
	s6 =	simm.s32 $0x108;
	_ =	swait.ge @!p0 [sflag:s8], $0x0  }
0x24: {  	s3 =	sadd.s32 $0x88, s3;
	s6 =	simm.s32 @!p1 $0x1082;
	[sflag:s4] =	ssyncset.s32 $0xFFFFF086  }
0x25: {  	[simem:s6], [sflag:s4] =	dma.local [hbm:s3], $0xF7A  }
0x26: {  	[smem:$0x3FA0] =	sst s1;
	(tag) =	ssettag s2;
	_ =	strace s9  }
0x27: {  	s1 =	sld [smem:$0x3FB0]  }
0x28: {  	s2 =	sld [smem:$0x3FB1]  }
0x29: {  	s4 =	sld [smem:$0x3FB3]  }
0x2a: {  	p0 =	seq.s32 s5, $0x0;
	s5 =	sld [smem:$0x3FB4]  }
0x2b: {  	s6 =	sld [smem:$0x3FB5]  }
0x2c: {  	s7 =	sld [smem:$0x3FB6]  }
0x2d: {  	s3 =	simm.s32 $0x108;
	s8 =	sld [smem:$0x3FB7]  }
0x2e: {  	s3 =	simm.s32 @!p0 $0x1082;
	s9 =	sld [smem:$0x3FB8]  }
0x2f: {  	lr =	sadd.s32 s0, s3;
	s0 =	sld [smem:$0x3FAF]  }
0x30: {  	s3 =	sld [smem:$0x3FB2]  }
0x31: {  	[smem:$0x3FBB] =	sst s10  }
0x32: {  	s10 =	sld [smem:$0x3FB9];
	_ =	sdelay $0x3  }
0x33: {  	p0 =	seq.s32 s10, $0x1;
	s10 =	sld [smem:$0x3FBB];
	_ =	sdelay $0x3  }
0x34: {  	[smem:$0x3FBB] =	sst s10  }
0x35: {  	s10 =	sld [smem:$0x3FBA];
	_ =	sdelay $0x3  }
0x36: {  	p1 =	seq.s32 s10, $0x1;
	s10 =	sld [smem:$0x3FBB];
	_ =	sdelay $0x3  }
0x37: {  	[smem:$0x3FBB] =	sst s10  }
0x38: {  	s10 =	sld [smem:$0x3FBC]  }
0x39: {  	_ = 	snop;
	(pc) =	sbr.ind lr, $3  }
0x3a: {  	_ = 	snop  }
0x3b: {  	_ = 	snop  }
0x3c: {  	p2 =	seq.s32 s10, $0x1;
	s10 =	sld [smem:$0x3FBB]  }
0x3d: {  	_ =	shalt  }
0x3e: {  	_ =	shalt  }
0x3f: {  	_ =	shalt  }
0x40: {  	_ =	shalt  }
0x41: {  	_ =	shalt  }
0x42: {  	_ =	shalt  }
0x43: {  	_ =	shalt  }
0x44: {  	_ =	shalt  }
0x45: {  	_ =	shalt  }
0x46: {  	_ =	shalt  }
0x47: {  	_ =	shalt  }
0x48: {  	_ =	shalt  }
0x49: {  	_ =	shalt  }
0x4a: {  	_ =	shalt  }
0x4b: {  	_ =	shalt  }
0x4c: {  	_ =	shalt  }
0x4d: {  	_ =	shalt  }
0x4e: {  	_ =	shalt  }
0x4f: {  	_ =	shalt  }
0x50: {  	_ =	shalt  }
0x51: {  	_ =	shalt  }
0x52: {  	_ =	shalt  }
0x53: {  	_ =	shalt  }
0x54: {  	_ =	shalt  }
0x55: {  	_ =	shalt  }
0x56: {  	_ =	shalt  }
0x57: {  	_ =	shalt  }
0x58: {  	_ =	shalt  }
0x59: {  	_ =	shalt  }
0x5a: {  	_ =	shalt  }
0x5b: {  	_ =	shalt  }
0x5c: {  	_ =	shalt  }
0x5d: {  	_ =	shalt  }
0x5e: {  	_ =	shalt  }
0x5f: {  	_ =	shalt  }
0x60: {  	_ =	shalt  }
0x61: {  	_ =	shalt  }
0x62: {  	_ =	shalt  }
0x63: {  	_ =	shalt  }
0x64: {  	_ =	shalt  }
0x65: {  	_ =	shalt  }
0x66: {  	_ =	shalt  }
0x67: {  	_ =	shalt  }
0x68: {  	_ =	shalt  }
0x69: {  	_ =	shalt  }
0x6a: {  	_ =	shalt  }
0x6b: {  	_ =	shalt  }
0x6c: {  	_ =	shalt  }
0x6d: {  	_ =	shalt  }
0x6e: {  	_ =	shalt  }
0x6f: {  	_ =	shalt  }
0x70: {  	_ =	shalt  }
0x71: {  	_ =	shalt  }
0x72: {  	_ =	shalt  }
0x73: {  	_ =	shalt  }
0x74: {  	_ =	shalt  }
0x75: {  	_ =	shalt  }
0x76: {  	_ =	shalt  }
0x77: {  	_ =	shalt  }
0x78: {  	_ =	shalt  }
0x79: {  	_ =	shalt  }
0x7a: {  	_ =	shalt  }
0x7b: {  	_ =	shalt  }
0x7c: {  	_ =	shalt  }
0x7d: {  	_ =	shalt  }
0x7e: {  	_ =	shalt  }
0x7f: {  	_ =	shalt  }
0x80: {  	_ =	shalt  }
0x81: {  	_ =	shalt  }
0x82: {  	_ =	shalt  }
0x83: {  	_ =	shalt  }
0x84: {  	_ =	shalt  }
0x85: {  	_ =	shalt  }
0x86: {  	_ =	shalt  }
0x87: {  	_ =	shalt  }
.Lfunc_end0:
.L_simem_size_0:
called_computation_lowered:
.L_overlay_start_0:
0x88: {  	s2 =	sld [smem:$0x3FD9]  }
0x89: {  	s3 =	sld [smem:$0x3FFE];
	_ =	sdelay $0x1  }
0x8a: {  	s1 =	srdreg.scid  }
0x8b: {  	s0 =	sand.u32 $0x1, s1  }
0x8c: {  	s14 =	sshll.u32 s0, $0xA;
	s2 =	sadd.s32 s3, s2  }
0x8d: {  	s2 =	sadd.s32 s2, s14  }
0x8e: {  	[smem:$0x3FC7] =	sst s2  }
0x8f: {  	_ = 	snop  }
0x90: {  	s2 =	sld [smem:$0x3FD0];
	_ =	sdelay $0x2  }
0x91: {  	s15 =	simm.s32 $0xA;
	s4 =	simm.s32 $0x10  }
0x92: {  	[smem:s4], [sflag:s15] =	dma.local [hbm:s2], $0x1  }
0x93: {  	_ =	swait.eq [sflag:s15], $0x1  }
0x94: {  	[sflag:s15] =	ssyncset.done $0x0  }
0x95: {  	s16 =	sld [smem:$0x10];
	[sflag:s15] =	ssyncadd.s32 $0xFFFFFFFF  }
0x96: {  	s17 =	sld [smem:$0x11];
	(tm) =	ssettm $0x1  }
0x97: {  	s18 =	sld [smem:$0x3FFB];
	_ =	sdelay $0x3  }
0x98: {  	_ =	strace s18  }
0x99: {  	s4 =	sld [smem:$0x3FFC];
	_ =	sdelay $0x3  }
0x9a: {  	_ =	strace s4  }
0x9b: {  	s4 =	sld [smem:$0x3FFD];
	_ =	sdelay $0x3  }
0x9c: {  	_ =	strace s4  }
0x9d: {  	_ =	strace $0x8FFFFFFF  }
0x9e: {  	s19 =	sld [smem:$0x3FDB];
	_ =	sdelay $0x1  }
0x9f: {  	s5 =	simm.s32 $_scs_section_size  }
0xa0: {  	s6 =	simm.s32 $_size__tile_overlayer_lowered;
	s7 =	simm.s32 $_tile_overlayer_lowered  }
0xa1: {  	s22 =	simm.s32 $0x1BFF;
	s21 =	sshll.u32 s7, $0x1;
	s4 =	sadd.s32 s5, s19  }
0xa2: {  	s8 =	simm.s32 $0x0;
	s20 =	sshll.u32 s6, $0x1;
	s6 =	sadd.s32 s21, s4  }
0xa3: {  	[timem:s8], [sflag:s22] =	dma.local [hbm:s6], s20  }
0xa4: {  	_ =	swait.ge [sflag:s22], s20  }
0xa5: {  	s5 =	ssub.s32 $0x0, s20;
	[sflag:s22] =	ssyncset.done $0x0  }
0xa6: {  	[sflag:s22] =	ssyncadd.s32 s5;
	_ =	sdelay $0x1  }
0xa7: {  	s23 =	simm.s32 $0x1B8B  }
0xa8: {  	_ =	swait.ge [sflag:s23], $0x1  }
0xa9: {  	[sflag:s23] =	ssyncset.done $0x0  }
0xaa: {  	s25 =	simm.s32 $0x1B8E;
	s24 =	sld [smem:$0x3FFE];
	[sflag:s23] =	ssyncadd.s32 $0xFFFFFFFF  }
0xab: {  	s26 =	simm.s32 $execute0_lowered;
	[smem:$0x3FD2] =	sst s25  }
0xac: {  	s6 =	sshll.u32 s26, $0x1;
	_ =	strace $0x80000046;
	[dreg:$0x1] =	wrdreg $0xFFFFFFFF  }
0xad: {  	s28 =	simm.s32 $_size_execute0_lowered;
	s4 =	sadd.s32 s4, s6;
	[dreg:$0x0] =	wrdreg $0x0  }
0xae: {  	s6 =	sshll.u32 s28, $0x1;
	[dreg:$0x2] =	wrdreg s4  }
0xaf: {  	[dreg:$0x3] =	wrdreg s6  }
0xb0: {  	[dreg:$0x4] =	wrdreg $0xC0  }
0xb1: {  	_ =	task [dreg:s8], $0x5FFFF  }
0xb2: {  	[dreg:$0x1] =	wrdreg $0xFFFFFFFF  }
0xb3: {  	[dreg:$0x0] =	wrdreg $0x60  }
0xb4: {  	[dreg:$0x2] =	wrdreg s24  }
0xb5: {  	[dreg:$0x3] =	wrdreg s16  }
0xb6: {  	[dreg:$0x4] =	wrdreg s17  }
0xb7: {  	[dreg:$0x5] =	wrdreg $0x9  }
0xb8: {  	_ =	task.clear_ibuf [dreg:s8], $0x6FFFF;
	_ =	strace $0x90000046  }
0xb9: {  	s29 =	simm.s32 $0x9;
	_ =	strace $0x80000048  }
0xba: {  	_ =	swait.ge [sflag:s29], $0x1  }
0xbb: {  	[sflag:s29] =	ssyncadd.s32 $0xFFFFFFFF  }
0xbc: {  	_ =	strace $0x90000048  }
0xbd: {  	_ =	sfence  }
0xbe: {  	s30 =	sld [smem:$0x0];
	_ =	sdelay $0x2  }
0xbf: {  	s31 =	sshll.u32 s1, $0xD;
	s1 =	sshrl.u32 s1, $0x2  }
0xc0: {  	s3 =	sand.u32 $0x4000, s31;
	s1 =	sadd.s32 s1, s30  }
0xc1: {  	s0 =	sor.u32 s3, s0;
	s1 =	sshll.u32 s1, $0x11  }
0xc2: {  	s0 =	sor.u32 s1, s0  }
0xc3: {  	s0 =	sadd.s32 $0x8F2B, s0  }
0xc4: {  	[sflag:s0] =	ssyncadd.remote.s32 $0x1  }
0xc5: {  	_ =	sfence.sel $0xFFFF  }
0xc6: {  	[dreg:$0x0] =	wrdreg $0xFFFFFFFF;
	(pc) =	sbr.abs _section_cstart, $3  }
0xc7: {  	[dreg:$0x1] =	wrdreg $0xFFFFFFFF  }
0xc8: {  	_ =	task.clear_ibuf [dreg:s8], $0x2FFFF;
	_ =	strace $0x9FFFFFFF  }
0xc9: {  	(tm) =	ssettm $0x7FFFFFFF  }
tec
execute0_lowered:
.L_overlay_start_1:
0x0: {  	(tag) =	ssettag $0x1  }
0x1: {  	s1 =	stileid.u32  }
0x2: {  	p0 =	sgt.u32 s1, $0x7  }
.Ltmp0:
0x3: {  	s5 =	rddreg [dreg:$0x0];
	(pc) =	sbr.rel @p0 .LBB2_7-.Ltmp0, $4  }
0x4: {  	s4 =	rddreg [dreg:$0x1]  }
0x5: {  	s3 =	rddreg [dreg:$0x2];
	s2 =	simm.s32 $0x0  }
0x6: {  	[smem:$0x7FF] =	sst s2  }
0x7: {  	s0 =	rddreg [dreg:$0x3];
	_ =	strace $0x80000047  }
0x8: {  	s6 =	srdreg.scid  }
0x9: {  	s7 =	sshll.u32 s1, $0x1;
	s6 =	sand.u32 $0x1, s6  }
0xa: {  	s7 =	sor.u32 s6, s7  }
0xb: {  	s6 =	ssub.s32 $0x2, s6;
	s8 =	smul.u32 $0x600, s7  }
0xc: {  	s5 =	sadd.s32 $0x800, s5;
	v0 =	vlaneseq.u32;
	s9 =	sshrl.u32 s6, $0x1;
	s7 =	smul.u32 $0x54, s7  }
0xd: {  	s10 =	simm.s32 $0x0;
	v2 =	vmul.u32 $0xFFFFFFFF, v0;
	s6 =	ssub.s32 s6, s9;
	s9 =	simm.s32 $0x3300  }
0xe: {  	s3 =	sadd.s32 s3, s8;
	s4 =	sadd.s32 s4, s8;
	s5 =	sadd.s32 s5, s7  }
0xf: {  	v1 =	vimm.s32 $0x1;
	v0 =	vimm.s32 $0x0;
	v2 =	vadd.s32 $0x64, v2;
	s6 =	smax.u32 s6, $0x1;
	s7 =	simm.s32 $0x1;
	s8 =	simm.s32 $0x300  }
.LBB2_2:
0x10: {  	s11 =	simm.s32 $0x0;
	s12 =	simm.s32 $0x200  }
.LBB2_3:
0x11: {  	p0 =	sne.s32 s12, $0xBE00;
	[tilespmem:s11+$0x3370] =	vst v1  }
0x12: {  	[tilespmem:s11+$0x300] =	vst v0  }
0x13: {  	[tilespmem:s11+$0x3300] =	vst v1  }
0x14: {  	[tilespmem:s11+$0x310] =	vst v0  }
0x15: {  	[tilespmem:s11+$0x3310] =	vst v1  }
0x16: {  	[tilespmem:s11+$0x320] =	vst v0  }
0x17: {  	[tilespmem:s11+$0x3320] =	vst v1  }
0x18: {  	[tilespmem:s11+$0x330] =	vst v0  }
0x19: {  	[tilespmem:s11+$0x3330] =	vst v1  }
0x1a: {  	[tilespmem:s11+$0x340] =	vst v0  }
0x1b: {  	[tilespmem:s11+$0x3340] =	vst v1  }
.Ltmp1:
0x1c: {  	[tilespmem:s11+$0x350] =	vst v0;
	(pc) =	sbr.rel @p0 .LBB2_3-.Ltmp1, $4  }
0x1d: {  	[tilespmem:s11+$0x3350] =	vst v1  }
0x1e: {  	[tilespmem:s11+$0x360] =	vst v0  }
0x1f: {  	[tilespmem:s11+$0x3360] =	vst v1  }
0x20: {  	[tilespmem:s11+$0x370] =	vst v0;
	s11 =	sshra.s32 s12, $0x2;
	s12 =	sadd.s32 $0x200, s12  }
0x21: {  	[tilespmem:s11+$0x3370] =	vst v1  }
0x22: {  	[tilespmem:s11+$0x300] =	vst v0  }
0x23: {  	[tilespmem:s11+$0x3300] =	vst v1  }
0x24: {  	[tilespmem:s11+$0x310] =	vst v0  }
0x25: {  	[tilespmem:s11+$0x3310] =	vst v1  }
0x26: {  	[tilespmem:s11+$0x320] =	vst v0  }
0x27: {  	[tilespmem:s11+$0x3320] =	vst v1  }
0x28: {  	[tilespmem:s11+$0x330] =	vst v0  }
0x29: {  	[tilespmem:s11+$0x3330] =	vst v1  }
0x2a: {  	[tilespmem:s11+$0x340] =	vst v0  }
0x2b: {  	[tilespmem:s11+$0x3340] =	vst v1  }
0x2c: {  	[tilespmem:s11+$0x350] =	vst v0  }
0x2d: {  	[tilespmem:s11+$0x3350] =	vst v1  }
0x2e: {  	[tilespmem:s11+$0x360] =	vst v0  }
0x2f: {  	[tilespmem:s11+$0x3360] =	vst v1  }
0x30: {  	[tilespmem:s11+$0x370] =	vst v0;
	s12 =	simm.s32 $0x0  }
0x31: {  	[tilespmem:s12], [sflag:$0x1] =	stream.linear.gather [hbm4b:s5+s12], $0x2A0, $0x38;
	[tilespmem:$0x6300] =	vst v63  }
0x32: {  	_ =	swait.ge [sflag:s7], $0x2A0  }
0x33: {  	[sflag:s7] =	ssyncset.done $0x0  }
0x34: {  	s11 =	simm.s32 $0x150;
	[sflag:s7] =	ssyncadd.s32 $0xFFFFFD60  }
0x35: {  	v3 =	vld [tilespmem:s11+$0x70]  }
0x36: {  	v4 =	vld [tilespmem:s11+$0xE0];
	_ =	sdelay $0x4  }
0x37: {  	v3 =	vmul.f32 $6.400000000e+01, v3;
	v4 =	vmul.f32 $6.400000000e+01, v4;
	_ =	sdelay $0x1  }
0x38: {  	v5 =	vmul.f32 v4, v3  }
0x39: {  	v6 =	vmin.f32 v4, $3.071999930e+01;
	v7 =	vmin.f32 v3, $1.792000010e+01;
	v8 =	vmin.f32 v4, $1.407999990e+01  }
0x3a: {  	v9 =	vmin.f32 v3, $2.431999970e+01;
	v7 =	vmul.f32 v8, v7;
	v59 =	vadd.f32 $2.523135990e+02, v5  }
0x3b: {  	v6 =	vmul.f32 v6, v9;
	v10 =	vadd.f32 $7.471103520e+02, v5  }
0x3c: {  	v4 =	vmin.f32 v4, $4.991999820e+01;
	v3 =	vmin.f32 v3, $5.759999850e+01;
	v8 =	vsub.f32 v59, v7  }
0x3d: {  	v3 =	vmul.f32 v4, v3;
	v5 =	vadd.f32 $2.875391850e+03, v5;
	v4 =	vsub.f32 v10, v6  }
0x3e: {  	(erf) = vrcp.f32 v8  }
0x3f: {  	v5 =	vsub.f32 v5, v3;
	(erf) = vrcp.f32 v4;
	_ =	sdelay $0x1  }
0x40: {  	(erf) = vrcp.f32 v5;
	_ =	sdelay $0x1  }
0x41: {  	v4 =	vld [tilespmem:s11+$0xFFFFFF90];
	_ =	sdelay $0x1  }
0x42: {  	v5 =	vld [tilespmem:s11+$0x0];
	_ =	sdelay $0x1  }
0x43: {  	v8 =	vpop (erf)  }
0x44: {  	v4 =	vmul.f32 $6.400000000e+01, v4;
	v60 =	vpop (erf)  }
0x45: {  	v7 =	vmul.f32 v8, v7;
	v6 =	vmul.f32 v60, v6  }
0x46: {  	v5 =	vmul.f32 $6.400000000e+01, v5;
	v4 =	vtrunc.f32 v4;
	v61 =	vpop (erf)  }
0x47: {  	v8 =	vmul.f32 v61, v3;
	v3 =	vcvt.f32.s32 v4;
	vm0 =	vgt.f32 v6, v7  }
0x48: {  	v4 =	vtrunc.f32 v5;
	vm1 =	vgt.f32 v7, $5.000000000e-01;
	v5 =	vsel vm0, v6, v7  }
0x49: {  	v4 =	vcvt.f32.s32 v4;
	v62 =	vsel vm0, $0x1, v0;
	vm3 =	vgt.f32 v8, v5  }
0x4a: {  	v3 =	vshll.u32 v3, $0x6;
	v5 =	vmov s12;
	v9 =	vsel vm3, $0x2, v62  }
0x4b: {  	v3 =	vadd.s32 v4, v3;
	vm4 =	vlt.u32 v5, v2;
	v4 =	vshll.u32 v9, $0xC  }
0x4c: {  	vm2 =	vmneg vm3;
	vm6 =	veq.s32 v9, $0x0;
	v63 =	vadd.s32 v3, v4  }
0x4d: {  	vm5 =	vgt.f32 v6, $5.000000000e-01;
	vm0 =	vmand vm2, vm0;
	vm1 =	vmor vm1, vm6  }
0x4e: {  	vm0 =	vmor vm5, vm0;
	vm5 =	vgt.f32 v8, $5.000000000e-01;
	vm1 =	vmand vm4, vm1  }
0x4f: {  	vm2 =	vmand vm4, vm0;
	vm0 =	vmor vm5, vm3  }
0x50: {  	v4 =	vadd.s32 $0x1000, v3;
	vm3 =	vmand vm4, vm0  }
0x51: {  	s12 =	simm.s32 $0x10;
	v5 =	vadd.s32 $0x2000, v3;
	[tilespmem:v63+s8+$0x0] =	vst.idx.msk vm4, v1  }
.LBB2_5:
0x52: {  	p0 =	sne.s32 s12, $0x60  }
0x53: {  	s11 =	sadd.s32 $0x10, s11;
	s13 =	smov.u32 s12;
	s12 =	sadd.s32 $0x10, s12  }
0x54: {  	[tilespmem:v3+s9+$0x0] =	vst.idx.msk vm1, v0  }
0x55: {  	[tilespmem:v4+s9+$0x0] =	vst.idx.msk vm2, v0  }
0x56: {  	[tilespmem:v5+s9+$0x0] =	vst.idx.msk vm3, v0  }
0x57: {  	v3 =	vld [tilespmem:s11+$0x70]  }
0x58: {  	v4 =	vld [tilespmem:s11+$0xE0];
	_ =	sdelay $0x4  }
0x59: {  	v3 =	vmul.f32 $6.400000000e+01, v3;
	v4 =	vmul.f32 $6.400000000e+01, v4;
	_ =	sdelay $0x1  }
0x5a: {  	v5 =	vmul.f32 v4, v3;
	v6 =	vmin.f32 v4, $3.071999930e+01;
	v7 =	vmin.f32 v4, $4.991999820e+01  }
0x5b: {  	v8 =	vmin.f32 v3, $1.792000010e+01;
	v9 =	vmin.f32 v3, $2.431999970e+01;
	v4 =	vmin.f32 v4, $1.407999990e+01  }
0x5c: {  	v4 =	vmul.f32 v4, v8;
	v8 =	vadd.f32 $2.523135990e+02, v5;
	v10 =	vadd.f32 $7.471103520e+02, v5  }
0x5d: {  	v3 =	vmin.f32 v3, $5.759999850e+01;
	v6 =	vmul.f32 v6, v9;
	v5 =	vadd.f32 $2.875391850e+03, v5  }
0x5e: {  	v3 =	vmul.f32 v7, v3;
	v8 =	vsub.f32 v8, v4  }
0x5f: {  	v7 =	vsub.f32 v10, v6  }
0x60: {  	v5 =	vsub.f32 v5, v3;
	(erf) = vrcp.f32 v8  }
0x61: {  	(erf) = vrcp.f32 v7  }
0x62: {  	(erf) = vrcp.f32 v5;
	_ =	sdelay $0x1  }
0x63: {  	v5 =	vld [tilespmem:s11+$0xFFFFFF90];
	_ =	sdelay $0x1  }
0x64: {  	v7 =	vld [tilespmem:s11+$0x0];
	_ =	sdelay $0x2  }
0x65: {  	v5 =	vmul.f32 $6.400000000e+01, v5;
	v8 =	vpop (erf)  }
0x66: {  	v4 =	vmul.f32 v8, v4;
	v8 =	vpop (erf)  }
0x67: {  	v7 =	vmul.f32 $6.400000000e+01, v7;
	v6 =	vmul.f32 v8, v6;
	v8 =	vmov s13;
	v9 =	vpop (erf)  }
0x68: {  	v5 =	vtrunc.f32 v5;
	v9 =	vmul.f32 v9, v3;
	vm0 =	vlt.u32 v8, v2  }
0x69: {  	v3 =	vcvt.f32.s32 v5;
	v5 =	vtrunc.f32 v7;
	vm1 =	vgt.f32 v6, v4  }
0x6a: {  	v5 =	vcvt.f32.s32 v5;
	v7 =	vsel vm1, v6, v4;
	v8 =	vsel vm1, $0x1, v0  }
0x6b: {  	vm2 =	vgt.f32 v4, $5.000000000e-01;
	v3 =	vshll.u32 v3, $0x6;
	vm3 =	vgt.f32 v9, v7  }
0x6c: {  	vm4 =	vgt.f32 v6, $5.000000000e-01;
	v4 =	vsel vm3, $0x2, v8;
	v3 =	vadd.s32 v5, v3  }
0x6d: {  	vm5 =	vmneg vm3;
	v5 =	vshll.u32 v4, $0xC;
	vm6 =	veq.s32 v4, $0x0  }
0x6e: {  	vm5 =	vmand vm5, vm1;
	v6 =	vadd.s32 v3, v5;
	vm2 =	vmor vm2, vm6  }
.Ltmp2:
0x6f: {  	vm1 =	vmand vm0, vm2;
	vm2 =	vmor vm4, vm5;
	vm4 =	vgt.f32 v9, $5.000000000e-01;
	(pc) =	sbr.rel @p0 .LBB2_5-.Ltmp2, $4  }
0x70: {  	vm2 =	vmand vm0, vm2;
	vm3 =	vmor vm4, vm3  }
0x71: {  	v4 =	vadd.s32 $0x1000, v3;
	vm3 =	vmand vm0, vm3  }
0x72: {  	v5 =	vadd.s32 $0x2000, v3  }
0x73: {  	[tilespmem:v6+s8+$0x0] =	vst.idx.msk vm0, v1  }
0x74: {  	_ =	sdelay $0x4  }
0x75: {  	[tilespmem:v3+s9+$0x0] =	vst.idx.msk vm1, v0  }
0x76: {  	[tilespmem:v4+s9+$0x0] =	vst.idx.msk vm2, v0  }
0x77: {  	[tilespmem:v5+s9+$0x0] =	vst.idx.msk vm3, v0  }
0x78: {  	[hbm4b:s3+s2] =	stream.linear.scatter [tilespmem:s8], [sflag:$0x1], $0x3000, $0x38;
	[tilespmem:$0x6300] =	vst v63  }
0x79: {  	s10 =	sadd.s32 $0x1, s10;
	_ =	swait.ge [sflag:s7], $0x3000  }
0x7a: {  	p0 =	sne.s32 s10, s6;
	[sflag:s7] =	ssyncset.done $0x0  }
.Ltmp3:
0x7b: {  	[sflag:s7] =	ssyncadd.s32 $0xFFFFD000;
	(pc) =	sbr.rel @p0 .LBB2_2-.Ltmp3, $4  }
0x7c: {  	[hbm4b:s4+s2] =	stream.linear.scatter [tilespmem:s9], [sflag:$0x1], $0x3000, $0x38;
	[tilespmem:$0x6300] =	vst v63  }
0x7d: {  	_ =	swait.ge [sflag:s7], $0x3000  }
0x7e: {  	[sflag:s7] =	ssyncset.done $0x0  }
0x7f: {  	[sflag:s7] =	ssyncadd.s32 $0xFFFFD000  }
.LBB2_7:
0x80: {  	_ =	sfence.sel $0x180000  }
0x81: {  	[bflag:$0x0] =	sbarrier.arrive $0xFFFF  }
0x82: {  	p0 =	sne.s32 s1, $0x0;
	_ =	strace $0x90000047  }
0x83: {  	s0 =	sadd.s32 @!p0 $0x100000, s0;
	[bflag:$0x2] =	sbarrier.arrive $0xFFFF  }
0x84: {  	[sflag:s0] =	ssyncadd.tile.s32 @!p0 $0x1;
	_ =	shalt  }
.Lfunc_end2:
_tile_overlayer_lowered:
.L_overlay_start_2:
0x85: {  	(tag) =	ssettag $0x2  }
0x86: {  	s0 =	rddreg [dreg:$0x0];
	s2 =	stileid.u32  }
0x87: {  	s1 =	rddreg [dreg:$0x1];
	p0 =	sne.s32 s2, $0x0  }
0x88: {  	s3 =	rddreg [dreg:$0x2];
	[bflag:$0x3] =	sbarrier.arrive $0xFFFF;
	s2 =	simm.s32 @!p0 $0x1C01  }
0x89: {  	[timem:s3], [sflag:s2] =	dma.local @!p0 [hbm:s0], s1  }
0x8a: {  	s0 =	simm.s32 @!p0 $0x1  }
0x8b: {  	_ =	swait.ge @!p0 [sflag:s0], s1  }
0x8c: {  	s1 =	ssub.s32 @!p0 $0x0, s1;
	[sflag:s0] =	ssyncset.done @!p0 $0x0  }
0x8d: {  	[sflag:s0] =	ssyncadd.s32 @!p0 s1  }
0x8e: {  	[bflag:$0x3] =	sbarrier.arrive $0xFFFF  }
0x8f: {  	_ =	shalt  }

</sc_bundles>
